<compile_context>
chip_gen: v7x
topology: tpu7x:2x2x1
jax: 0.10.2.dev20260603
libtpu: 0.0.44.dev20260713+nightly
codegen_flags: <defaults>
</compile_context>

<pallas_src>
import functools

import jax
import jax.numpy as jnp
from jax import lax
from jax.experimental import pallas as pl
from jax.experimental.pallas import tpu as pltpu
from jax.experimental.pallas import tpu_sc as plsc

_EPS = 1e-5
_BLK = 32768


_NSTREAM = 2


def _table_body(*refs):
    wp_ref, scal_ref, out_ref = refs[_NSTREAM], refs[_NSTREAM + 1], refs[-1]
    wp = wp_ref[...]
    inv_d = 1.0 / wp_ref.shape[0]
    wsum = scal_ref[0, 0]
    c0 = scal_ref[0, 1]
    for s in range(_NSTREAM):
        x = refs[s][...]
        s1 = jnp.sum(x, axis=0)
        sw = jnp.sum(x * wp, axis=0)
        s2 = jnp.sum(x * x, axis=0)
        mean = s1 * inv_d
        var = s2 * inv_d - mean * mean
        out_ref[pl.ds(s * _BLK, _BLK)] = (
            (sw - mean * wsum) * lax.rsqrt(var + _EPS) + c0
        )


def _precompute_table(et, wp_col, scal):
    d, v = et.shape
    nblk = pl.cdiv(v, _BLK)
    def in_map(s):
        return lambda i: (0, jnp.minimum(_NSTREAM * i + s, nblk - 1))

    return pl.pallas_call(
        _table_body,
        grid=(pl.cdiv(nblk, _NSTREAM),),
        in_specs=[pl.BlockSpec((d, _BLK), in_map(s)) for s in range(_NSTREAM)]
        + [
            pl.BlockSpec((d, 1), lambda i: (0, 0)),
            pl.BlockSpec((1, 2), lambda i: (0, 0), memory_space=pltpu.SMEM),
        ],
        out_specs=pl.BlockSpec((_NSTREAM * _BLK,), lambda i: (i,)),
        out_shape=jax.ShapeDtypeStruct((v,), jnp.float32),
    )(*([et] * _NSTREAM), wp_col, scal)


def _make_gather(b, l):
    mesh = plsc.VectorSubcoreMesh(core_axis_name="c", subcore_axis_name="s")
    nc, ns = mesh.num_cores, mesh.num_subcores
    nw = nc * ns
    assert b % (8 * nw) == 0
    rows_w = b // nw

    @functools.partial(
        pl.kernel,
        out_type=jax.ShapeDtypeStruct((b * l,), jnp.float32),
        mesh=mesh,
        scratch_types=[
            pltpu.VMEM((rows_w * l,), jnp.int32),
            pltpu.VMEM((rows_w * l,), jnp.float32),
            pltpu.SemaphoreType.DMA,
        ],
    )
    def gather(table_hbm, idx_hbm, out_hbm, idx_v, vals_v, sem):
        wid = lax.axis_index("s") * nc + lax.axis_index("c")
        base = wid * rows_w * l
        pltpu.sync_copy(idx_hbm.at[pl.ds(base, rows_w * l)], idx_v)
        pltpu.async_copy(table_hbm.at[idx_v], vals_v, sem).wait()
        pltpu.sync_copy(vals_v, out_hbm.at[pl.ds(base, rows_w * l)])

    return gather


def kernel(token_ids, embed_weight, ln_weight, ln_bias, lin_weight, lin_bias):
    b, l = token_ids.shape
    v, d = embed_weight.shape

    wp = ln_weight * lin_weight[0]
    wsum = jnp.sum(wp)
    c0 = jnp.dot(lin_weight[0], ln_bias) + lin_bias[0]
    scal = jnp.stack([wsum, c0]).reshape(1, 2)

    table = _precompute_table(embed_weight.T, wp.reshape(d, 1), scal)

    idx = token_ids.reshape(-1).astype(jnp.int32)
    flat = _make_gather(b, l)(table, idx)
    return flat.reshape(b, l, 1)

# --- scband reference (transcript-rebuilt; emitter-appended) ---
"""Pipeline reference for scband-embedding-linear-model-51986284151182 (READ-ONLY COPY).

The authoritative reference and input builder live on the scoring server;
editing this copy changes nothing except your own understanding.
"""

import jax, jax.numpy as jnp
import numpy as np

VOCAB = 1000000
DIM = 32
OUT_DIM = 1
BATCH = 16384
HIST = 50
EPS = 1e-5


def setup_inputs(seed: int = 0) -> dict:
    key = jax.random.key(seed)
    k1, k2, k3 = jax.random.split(key, 3)
    token_ids = jax.random.randint(k1, (BATCH, HIST), 0, VOCAB, dtype=jnp.int64 if jax.config.jax_enable_x64 else jnp.int32)
    embed_weight = jax.random.normal(k2, (VOCAB, DIM), dtype=jnp.float32)
    ln_weight = jnp.ones((DIM,), dtype=jnp.float32)
    ln_bias = jnp.zeros((DIM,), dtype=jnp.float32)
    bound = 1.0 / np.sqrt(DIM)
    lin_weight = jax.random.uniform(k3, (OUT_DIM, DIM), minval=-bound, maxval=bound, dtype=jnp.float32)
    lin_bias = jnp.zeros((OUT_DIM,), dtype=jnp.float32)
    return {
        "token_ids": token_ids,
        "embed_weight": embed_weight,
        "ln_weight": ln_weight,
        "ln_bias": ln_bias,
        "lin_weight": lin_weight,
        "lin_bias": lin_bias,
    }


def reference(token_ids, embed_weight, ln_weight, ln_bias, lin_weight, lin_bias):
    # Embedding lookup (gather)
    x = jnp.take(embed_weight, token_ids, axis=0)  # [B, L, DIM]
    # LayerNorm over last dim (biased variance, like torch)
    mean = jnp.mean(x, axis=-1, keepdims=True)
    var = jnp.mean(jnp.square(x - mean), axis=-1, keepdims=True)
    x = (x - mean) / jnp.sqrt(var + EPS)
    x = x * ln_weight + ln_bias
    # Linear
    out = jnp.einsum('bld,od->blo', x, lin_weight) + lin_bias
    return out

if __name__ == "__main__":
    import jax
    _d = setup_inputs()
    print(jax.jit(kernel)(*tuple(_d.values())))

</pallas_src>

<mosaic_0001>
#map = affine_map<(d0, d1) -> (0)>
module attributes {stable_mosaic.version = 14 : i64} {
  func.func @gather(%arg0: i32, %arg1: i32, %arg2: memref<1000000xf32, #tpu.memory_space<hbm>>, %arg3: memref<819200xi32, #tpu.memory_space<hbm>>, %arg4: memref<819200xf32, #tpu.memory_space<hbm>>, %arg5: memref<25600xi32, #tpu.memory_space<vmem>>, %arg6: memref<25600xf32, #tpu.memory_space<vmem>>, %arg7: memref<!tpu.dma_semaphore, #tpu.memory_space<semaphore_mem>>) attributes {dimension_semantics = [#tpu.dimension_semantics<core_parallel>, #tpu.dimension_semantics<subcore_parallel>], iteration_bounds = array<i64: 2, 16>, scalar_prefetch = 0 : i64, scratch_operands = 3 : i64, tpu.core_type = #tpu.core_type<sc_vector_subcore>, window_params = [{transform_indices = #map}, {transform_indices = #map}, {transform_indices = #map}]} {
    %mul3A = arith.constant 2 : i32
    %mul3A_0 = arith.muli %arg1, %mul3A : i32
    %add3A = arith.addi %mul3A_0, %arg0 : i32
    %mul3A_1 = arith.constant 512 : i32
    %mul3A_2 = arith.muli %add3A, %mul3A_1 : i32
    %mul3A_3 = arith.constant 50 : i32
    %mul3A_4 = arith.muli %mul3A_2, %mul3A_3 : i32
    "tpu.region"() ({
      %run_scoped3A = tpu.sem_alloc : memref<!tpu.dma_semaphore, #tpu.memory_space<semaphore_mem>>
      %dma_start3A_7 = tpu.memref_slice %arg3[%mul3A_4] : memref<819200xi32, #tpu.memory_space<hbm>> -> memref<25600xi32, #tpu.memory_space<hbm>>
      %dma_start3A_8 = tpu.memref_slice %arg3[%mul3A_4] : memref<819200xi32, #tpu.memory_space<hbm>> -> memref<25600xi32, #tpu.memory_space<hbm>>
      tpu.enqueue_dma source(%dma_start3A_8 : memref<25600xi32, #tpu.memory_space<hbm>>) target(%arg5 : memref<25600xi32, #tpu.memory_space<vmem>>) target_semaphore(%run_scoped3A : memref<!tpu.dma_semaphore, #tpu.memory_space<semaphore_mem>>)
      %dma_wait3A_9 = tpu.memref_slice %arg3[%mul3A_4] : memref<819200xi32, #tpu.memory_space<hbm>> -> memref<25600xi32, #tpu.memory_space<hbm>>
      %dma_wait3A_10 = tpu.memref_slice %arg3[%mul3A_4] : memref<819200xi32, #tpu.memory_space<hbm>> -> memref<25600xi32, #tpu.memory_space<hbm>>
      tpu.wait_dma2 semaphore(%run_scoped3A : memref<!tpu.dma_semaphore, #tpu.memory_space<semaphore_mem>>) src(%dma_wait3A_10 : memref<25600xi32, #tpu.memory_space<hbm>>) dst(%arg5 : memref<25600xi32, #tpu.memory_space<vmem>>)
      tpu.yield
    }) : () -> ()
    %dma_start3A = arith.constant 0 : i32
    %dma_start3A_5 = tpu.memref_slice %arg2[%dma_start3A] : memref<1000000xf32, #tpu.memory_space<hbm>> -> memref<1000000xf32, #tpu.memory_space<hbm>>
    tpu.enqueue_indirect_dma source(%dma_start3A_5 : memref<1000000xf32, #tpu.memory_space<hbm>>) target(%arg6 : memref<25600xf32, #tpu.memory_space<vmem>>) offsets(%arg5 : memref<25600xi32, #tpu.memory_space<vmem>>) semaphore(%arg7 : memref<!tpu.dma_semaphore, #tpu.memory_space<semaphore_mem>>)
    %dma_wait3A = arith.constant 0 : i32
    %dma_wait3A_6 = tpu.memref_slice %arg2[%dma_wait3A] : memref<1000000xf32, #tpu.memory_space<hbm>> -> memref<1000000xf32, #tpu.memory_space<hbm>>
    tpu.wait_indirect_dma semaphore(%arg7 : memref<!tpu.dma_semaphore, #tpu.memory_space<semaphore_mem>>) src(%dma_wait3A_6 : memref<1000000xf32, #tpu.memory_space<hbm>>) dst(%arg6 : memref<25600xf32, #tpu.memory_space<vmem>>)
    "tpu.region"() ({
      %run_scoped3A = tpu.sem_alloc : memref<!tpu.dma_semaphore, #tpu.memory_space<semaphore_mem>>
      %dma_start3A_7 = tpu.memref_slice %arg4[%mul3A_4] : memref<819200xf32, #tpu.memory_space<hbm>> -> memref<25600xf32, #tpu.memory_space<hbm>>
      %dma_start3A_8 = tpu.memref_slice %arg4[%mul3A_4] : memref<819200xf32, #tpu.memory_space<hbm>> -> memref<25600xf32, #tpu.memory_space<hbm>>
      tpu.enqueue_dma source(%arg6 : memref<25600xf32, #tpu.memory_space<vmem>>) target(%dma_start3A_8 : memref<25600xf32, #tpu.memory_space<hbm>>) target_semaphore(%run_scoped3A : memref<!tpu.dma_semaphore, #tpu.memory_space<semaphore_mem>>)
      %dma_wait3A_9 = tpu.memref_slice %arg4[%mul3A_4] : memref<819200xf32, #tpu.memory_space<hbm>> -> memref<25600xf32, #tpu.memory_space<hbm>>
      %dma_wait3A_10 = tpu.memref_slice %arg4[%mul3A_4] : memref<819200xf32, #tpu.memory_space<hbm>> -> memref<25600xf32, #tpu.memory_space<hbm>>
      tpu.wait_dma2 semaphore(%run_scoped3A : memref<!tpu.dma_semaphore, #tpu.memory_space<semaphore_mem>>) src(%arg6 : memref<25600xf32, #tpu.memory_space<vmem>>) dst(%dma_wait3A_10 : memref<25600xf32, #tpu.memory_space<hbm>>)
      tpu.yield
    }) : () -> ()
    return
  }
}

module attributes {stable_mosaic.version = 14 : i64} {
  func.func @_table_body(%arg0: i32, %arg1: memref<32x32768xf32, #tpu.memory_space<vmem>>, %arg2: memref<32x32768xf32, #tpu.memory_space<vmem>>, %arg3: memref<32x1xf32, #tpu.memory_space<vmem>>, %arg4: memref<1x2xf32, #tpu.memory_space<smem>>, %arg5: memref<65536xf32, #tpu.memory_space<vmem>>) attributes {dimension_semantics = [#tpu.dimension_semantics<arbitrary>], iteration_bounds = array<i64: 16>, scalar_prefetch = 0 : i64, scratch_operands = 0 : i64, tpu.core_type = #tpu.core_type<tc>, window_params = [{transform_indices = @transform_0, window_bounds = array<i64: 32, 32768>}, {transform_indices = @transform_1, window_bounds = array<i64: 32, 32768>}, {pipeline_mode = #tpu.pipeline_mode<synchronous>, transform_indices = @transform_2, window_bounds = array<i64: 32, 1>}, {transform_indices = @transform_3, window_bounds = array<i64: 1, 2>}, {transform_indices = @transform_4, window_bounds = array<i64: 65536>}]} {
    %get3A = arith.constant 0 : index
    %get3A_0 = arith.constant 0 : index
    %get3A_1 = vector.load %arg3[%get3A, %get3A_0] : memref<32x1xf32, #tpu.memory_space<vmem>>, vector<32x1xf32>
    %get3A_2 = arith.constant 0 : index
    %get3A_3 = arith.constant 0 : index
    %get3A_4 = memref.load %arg4[%get3A_2, %get3A_3] : memref<1x2xf32, #tpu.memory_space<smem>>
    %get3A_5 = arith.constant 0 : index
    %get3A_6 = arith.constant 1 : index
    %get3A_7 = memref.load %arg4[%get3A_5, %get3A_6] : memref<1x2xf32, #tpu.memory_space<smem>>
    %get3A_8 = arith.constant 0 : index
    %get3A_9 = arith.constant 0 : index
    %get3A_10 = vector.load %arg1[%get3A_8, %get3A_9] : memref<32x32768xf32, #tpu.memory_space<vmem>>, vector<32x32768xf32>
    %reduce_sum3A = arith.constant dense<0.000000e+00> : vector<32768xf32>
    %reduce_sum3A_11 = vector.multi_reduction <add>, %get3A_10, %reduce_sum3A [0] : vector<32x32768xf32> to vector<32768xf32>
    %mul3A = vector.broadcast %get3A_1 : vector<32x1xf32> to vector<32x32768xf32>
    %mul3A_12 = arith.mulf %get3A_10, %mul3A : vector<32x32768xf32>
    %reduce_sum3A_13 = arith.constant dense<0.000000e+00> : vector<32768xf32>
    %reduce_sum3A_14 = vector.multi_reduction <add>, %mul3A_12, %reduce_sum3A_13 [0] : vector<32x32768xf32> to vector<32768xf32>
    %mul3A_15 = arith.mulf %get3A_10, %get3A_10 : vector<32x32768xf32>
    %reduce_sum3A_16 = arith.constant dense<0.000000e+00> : vector<32768xf32>
    %reduce_sum3A_17 = vector.multi_reduction <add>, %mul3A_15, %reduce_sum3A_16 [0] : vector<32x32768xf32> to vector<32768xf32>
    %mul3A_18 = arith.constant 3.125000e-02 : f32
    %mul3A_19 = vector.broadcast %mul3A_18 : f32 to vector<32768xf32>
    %mul3A_20 = arith.mulf %reduce_sum3A_11, %mul3A_19 : vector<32768xf32>
    %mul3A_21 = arith.constant 3.125000e-02 : f32
    %mul3A_22 = vector.broadcast %mul3A_21 : f32 to vector<32768xf32>
    %mul3A_23 = arith.mulf %reduce_sum3A_17, %mul3A_22 : vector<32768xf32>
    %mul3A_24 = arith.mulf %mul3A_20, %mul3A_20 : vector<32768xf32>
    %sub3A = arith.subf %mul3A_23, %mul3A_24 : vector<32768xf32>
    %mul3A_25 = vector.broadcast %get3A_4 : f32 to vector<32768xf32>
    %mul3A_26 = arith.mulf %mul3A_20, %mul3A_25 : vector<32768xf32>
    %sub3A_27 = arith.subf %reduce_sum3A_14, %mul3A_26 : vector<32768xf32>
    %add3A = arith.constant 9.99999974E-6 : f32
    %add3A_28 = vector.broadcast %add3A : f32 to vector<32768xf32>
    %add3A_29 = arith.addf %sub3A, %add3A_28 : vector<32768xf32>
    %rsqrt3A = math.rsqrt %add3A_29 : vector<32768xf32>
    %mul3A_30 = arith.mulf %sub3A_27, %rsqrt3A : vector<32768xf32>
    %add3A_31 = vector.broadcast %get3A_7 : f32 to vector<32768xf32>
    %add3A_32 = arith.addf %mul3A_30, %add3A_31 : vector<32768xf32>
    %swap3A = arith.constant 0 : index
    %swap3A_33 = vector.load %arg5[%swap3A] : memref<65536xf32, #tpu.memory_space<vmem>>, vector<32768xf32>
    tpu.vector_store %arg5[%swap3A], %add3A_32 {strides = array<i32>} : memref<65536xf32, #tpu.memory_space<vmem>>, vector<32768xf32>,
    %get3A_34 = arith.constant 0 : index
    %get3A_35 = arith.constant 0 : index
    %get3A_36 = vector.load %arg2[%get3A_34, %get3A_35] : memref<32x32768xf32, #tpu.memory_space<vmem>>, vector<32x32768xf32>
    %reduce_sum3A_37 = arith.constant dense<0.000000e+00> : vector<32768xf32>
    %reduce_sum3A_38 = vector.multi_reduction <add>, %get3A_36, %reduce_sum3A_37 [0] : vector<32x32768xf32> to vector<32768xf32>
    %mul3A_39 = vector.broadcast %get3A_1 : vector<32x1xf32> to vector<32x32768xf32>
    %mul3A_40 = arith.mulf %get3A_36, %mul3A_39 : vector<32x32768xf32>
    %reduce_sum3A_41 = arith.constant dense<0.000000e+00> : vector<32768xf32>
    %reduce_sum3A_42 = vector.multi_reduction <add>, %mul3A_40, %reduce_sum3A_41 [0] : vector<32x32768xf32> to vector<32768xf32>
    %mul3A_43 = arith.mulf %get3A_36, %get3A_36 : vector<32x32768xf32>
    %reduce_sum3A_44 = arith.constant dense<0.000000e+00> : vector<32768xf32>
    %reduce_sum3A_45 = vector.multi_reduction <add>, %mul3A_43, %reduce_sum3A_44 [0] : vector<32x32768xf32> to vector<32768xf32>
    %mul3A_46 = arith.constant 3.125000e-02 : f32
    %mul3A_47 = vector.broadcast %mul3A_46 : f32 to vector<32768xf32>
    %mul3A_48 = arith.mulf %reduce_sum3A_38, %mul3A_47 : vector<32768xf32>
    %mul3A_49 = arith.constant 3.125000e-02 : f32
    %mul3A_50 = vector.broadcast %mul3A_49 : f32 to vector<32768xf32>
    %mul3A_51 = arith.mulf %reduce_sum3A_45, %mul3A_50 : vector<32768xf32>
    %mul3A_52 = arith.mulf %mul3A_48, %mul3A_48 : vector<32768xf32>
    %sub3A_53 = arith.subf %mul3A_51, %mul3A_52 : vector<32768xf32>
    %mul3A_54 = vector.broadcast %get3A_4 : f32 to vector<32768xf32>
    %mul3A_55 = arith.mulf %mul3A_48, %mul3A_54 : vector<32768xf32>
    %sub3A_56 = arith.subf %reduce_sum3A_42, %mul3A_55 : vector<32768xf32>
    %add3A_57 = arith.constant 9.99999974E-6 : f32
    %add3A_58 = vector.broadcast %add3A_57 : f32 to vector<32768xf32>
    %add3A_59 = arith.addf %sub3A_53, %add3A_58 : vector<32768xf32>
    %rsqrt3A_60 = math.rsqrt %add3A_59 : vector<32768xf32>
    %mul3A_61 = arith.mulf %sub3A_56, %rsqrt3A_60 : vector<32768xf32>
    %add3A_62 = vector.broadcast %get3A_7 : f32 to vector<32768xf32>
    %add3A_63 = arith.addf %mul3A_61, %add3A_62 : vector<32768xf32>
    %swap3A_64 = arith.constant 32768 : index
    %swap3A_65 = vector.load %arg5[%swap3A_64] : memref<65536xf32, #tpu.memory_space<vmem>>, vector<32768xf32>
    tpu.vector_store %arg5[%swap3A_64], %add3A_63 {strides = array<i32>} : memref<65536xf32, #tpu.memory_space<vmem>>, vector<32768xf32>,
    return
  }
  func.func @transform_0(%arg0: i32) -> (i32, i32) {
    %mul3A = arith.constant 2 : i32
    %mul3A_0 = arith.muli %mul3A, %arg0 : i32
    %add3A = arith.constant 0 : i32
    %add3A_1 = arith.addi %mul3A_0, %add3A : i32
    %min3A = arith.constant 30 : i32
    %min3A_2 = arith.minsi %add3A_1, %min3A : i32
    %c0_i32 = arith.constant 0 : i32
    %c0_i32_3 = arith.constant 0 : i32
    return %c0_i32, %min3A_2 : i32, i32
  }
  func.func @transform_1(%arg0: i32) -> (i32, i32) {
    %mul3A = arith.constant 2 : i32
    %mul3A_0 = arith.muli %mul3A, %arg0 : i32
    %add3A = arith.constant 1 : i32
    %add3A_1 = arith.addi %mul3A_0, %add3A : i32
    %min3A = arith.constant 30 : i32
    %min3A_2 = arith.minsi %add3A_1, %min3A : i32
    %c0_i32 = arith.constant 0 : i32
    %c0_i32_3 = arith.constant 0 : i32
    return %c0_i32, %min3A_2 : i32, i32
  }
  func.func @transform_2(%arg0: i32) -> (i32, i32) {
    %c0_i32 = arith.constant 0 : i32
    %c0_i32_0 = arith.constant 0 : i32
    %c0_i32_1 = arith.constant 0 : i32
    return %c0_i32, %c0_i32_0 : i32, i32
  }
  func.func @transform_3(%arg0: i32) -> (i32, i32) {
    %c0_i32 = arith.constant 0 : i32
    %c0_i32_0 = arith.constant 0 : i32
    %c0_i32_1 = arith.constant 0 : i32
    return %c0_i32, %c0_i32_0 : i32, i32
  }
  func.func @transform_4(%arg0: i32) -> i32 {
    %c0_i32 = arith.constant 0 : i32
    return %arg0 : i32
  }
}

</mosaic_0001>

<sc_bundles>
// kernel: kernel.4.cloned.1.call-start
scs
__scs_entry_jumppad:
0x0: {  	(pc) =	sbr.rel $0x88, $3  }
0x1: {  	(tag) =	ssettag $0x0;
	lr =	simm.s32 $0x1  }
0x2: {  	[smem:$0x3F9B] =	sst lr;
	_ =	strace $0xD0000000  }
0x3: {  	_ = 	snop  }
0x4: {  	_ = 	snop  }
0x5: {  	_ = 	snop  }
0x6: {  	_ = 	snop  }
0x7: {  	_ = 	snop  }
__scs_overlays_trampoline_lowered:
0x8: {  	[smem:$0x3FAA] =	sst s0  }
0x9: {  	[smem:$0x3FAB] =	sst s1  }
0xa: {  	[smem:$0x3FAC] =	sst s2  }
0xb: {  	[smem:$0x3FAD] =	sst s3  }
0xc: {  	[smem:$0x3FAE] =	sst s4  }
0xd: {  	[smem:$0x3FAF] =	sst s5  }
0xe: {  	[smem:$0x3FB0] =	sst s6  }
0xf: {  	[smem:$0x3FB1] =	sst s7  }
0x10: {  	[smem:$0x3FB2] =	sst s8  }
0x11: {  	[smem:$0x3FB3] =	sst s9;
	s0 =	simm.s32 @!p0 $0x0  }
0x12: {  	s1 =	sld [smem:$0x3F99];
	s0 =	simm.s32 @p0 $0x1  }
0x13: {  	[smem:$0x3FB4] =	sst s0;
	s0 =	simm.s32 @!p1 $0x0  }
0x14: {  	s2 =	sld [smem:$0x3F98];
	s0 =	simm.s32 @p1 $0x1  }
0x15: {  	[smem:$0x3FB5] =	sst s0;
	s0 =	simm.s32 @!p2 $0x0  }
0x16: {  	s3 =	sld [smem:$0x3FDB];
	s0 =	simm.s32 @p2 $0x1  }
0x17: {  	s4 =	simm.s32 $0x1BF5;
	[smem:$0x3FB7] =	sst s0  }
0x18: {  	s0 =	sld [smem:$0x3F9A];
	_ =	swait.ge [sflag:s4], $0x0  }
0x19: {  	s7 =	sld [smem:$0x3F9B]  }
0x1a: {  	s8 =	sadd.s32 $0xFFFFE003, lr  }
0x1b: {  	s9 =	sadd.s32 $0xFFFFFEF7, lr;
	s5 =	simm.s32 $0xFFFFFFFF;
	p2 =	slt.u32 s8, $0xFFFFF086  }
0x1c: {  	p1 =	slt.u32 s9, $0xF7A;
	s5 =	simm.s32 @!p2 $0x0  }
0x1d: {  	s5 =	simm.s32 @p1 $0x1;
	p0 =	seq.s32 s7, s2  }
0x1e: {  	s7 =	smul.u32 @!p0 $0xF7A, s2;
	p2 =	seq.s32 @!p0 s5, $0x0  }
0x1f: {  	s9 =	smul.u32 $0xF7A, s1;
	s8 =	simm.s32 @!p0 $0x1BF5;
	p2 =	por !p2, p0  }
0x20: {  	[sflag:s8] =	ssyncset.s32 @!p0 $0xFFFFF086;
	s6 =	sadd.s32 @!p0 s3, s7;
	s7 =	simm.s32 @!p0 $0x108  }
0x21: {  	s3 =	sadd.s32 s3, s9;
	s6 =	sadd.s32 @!p0 $0x88, s6;
	s7 =	simm.s32 @p2 $0x1082  }
0x22: {  	[simem:s7], [sflag:s8] =	dma.local @!p0 [hbm:s6], $0xF7A  }
0x23: {  	s9 =	sor.u32 $0xD0000000, s2;
	s6 =	simm.s32 $0x108;
	_ =	swait.ge @!p0 [sflag:s8], $0x0  }
0x24: {  	s3 =	sadd.s32 $0x88, s3;
	s6 =	simm.s32 @!p1 $0x1082;
	[sflag:s4] =	ssyncset.s32 $0xFFFFF086  }
0x25: {  	[simem:s6], [sflag:s4] =	dma.local [hbm:s3], $0xF7A  }
0x26: {  	[smem:$0x3F9B] =	sst s1;
	(tag) =	ssettag s2;
	_ =	strace s9  }
0x27: {  	s1 =	sld [smem:$0x3FAB]  }
0x28: {  	s2 =	sld [smem:$0x3FAC]  }
0x29: {  	s4 =	sld [smem:$0x3FAE]  }
0x2a: {  	p0 =	seq.s32 s5, $0x0;
	s5 =	sld [smem:$0x3FAF]  }
0x2b: {  	s6 =	sld [smem:$0x3FB0]  }
0x2c: {  	s7 =	sld [smem:$0x3FB1]  }
0x2d: {  	s3 =	simm.s32 $0x108;
	s8 =	sld [smem:$0x3FB2]  }
0x2e: {  	s3 =	simm.s32 @!p0 $0x1082;
	s9 =	sld [smem:$0x3FB3]  }
0x2f: {  	lr =	sadd.s32 s0, s3;
	s0 =	sld [smem:$0x3FAA]  }
0x30: {  	s3 =	sld [smem:$0x3FAD]  }
0x31: {  	[smem:$0x3FB6] =	sst s10  }
0x32: {  	s10 =	sld [smem:$0x3FB4];
	_ =	sdelay $0x3  }
0x33: {  	p0 =	seq.s32 s10, $0x1;
	s10 =	sld [smem:$0x3FB6];
	_ =	sdelay $0x3  }
0x34: {  	[smem:$0x3FB6] =	sst s10  }
0x35: {  	s10 =	sld [smem:$0x3FB5];
	_ =	sdelay $0x3  }
0x36: {  	p1 =	seq.s32 s10, $0x1;
	s10 =	sld [smem:$0x3FB6];
	_ =	sdelay $0x3  }
0x37: {  	[smem:$0x3FB6] =	sst s10  }
0x38: {  	s10 =	sld [smem:$0x3FB7]  }
0x39: {  	_ = 	snop;
	(pc) =	sbr.ind lr, $3  }
0x3a: {  	_ = 	snop  }
0x3b: {  	_ = 	snop  }
0x3c: {  	p2 =	seq.s32 s10, $0x1;
	s10 =	sld [smem:$0x3FB6]  }
0x3d: {  	_ =	shalt  }
0x3e: {  	_ =	shalt  }
0x3f: {  	_ =	shalt  }
0x40: {  	_ =	shalt  }
0x41: {  	_ =	shalt  }
0x42: {  	_ =	shalt  }
0x43: {  	_ =	shalt  }
0x44: {  	_ =	shalt  }
0x45: {  	_ =	shalt  }
0x46: {  	_ =	shalt  }
0x47: {  	_ =	shalt  }
0x48: {  	_ =	shalt  }
0x49: {  	_ =	shalt  }
0x4a: {  	_ =	shalt  }
0x4b: {  	_ =	shalt  }
0x4c: {  	_ =	shalt  }
0x4d: {  	_ =	shalt  }
0x4e: {  	_ =	shalt  }
0x4f: {  	_ =	shalt  }
0x50: {  	_ =	shalt  }
0x51: {  	_ =	shalt  }
0x52: {  	_ =	shalt  }
0x53: {  	_ =	shalt  }
0x54: {  	_ =	shalt  }
0x55: {  	_ =	shalt  }
0x56: {  	_ =	shalt  }
0x57: {  	_ =	shalt  }
0x58: {  	_ =	shalt  }
0x59: {  	_ =	shalt  }
0x5a: {  	_ =	shalt  }
0x5b: {  	_ =	shalt  }
0x5c: {  	_ =	shalt  }
0x5d: {  	_ =	shalt  }
0x5e: {  	_ =	shalt  }
0x5f: {  	_ =	shalt  }
0x60: {  	_ =	shalt  }
0x61: {  	_ =	shalt  }
0x62: {  	_ =	shalt  }
0x63: {  	_ =	shalt  }
0x64: {  	_ =	shalt  }
0x65: {  	_ =	shalt  }
0x66: {  	_ =	shalt  }
0x67: {  	_ =	shalt  }
0x68: {  	_ =	shalt  }
0x69: {  	_ =	shalt  }
0x6a: {  	_ =	shalt  }
0x6b: {  	_ =	shalt  }
0x6c: {  	_ =	shalt  }
0x6d: {  	_ =	shalt  }
0x6e: {  	_ =	shalt  }
0x6f: {  	_ =	shalt  }
0x70: {  	_ =	shalt  }
0x71: {  	_ =	shalt  }
0x72: {  	_ =	shalt  }
0x73: {  	_ =	shalt  }
0x74: {  	_ =	shalt  }
0x75: {  	_ =	shalt  }
0x76: {  	_ =	shalt  }
0x77: {  	_ =	shalt  }
0x78: {  	_ =	shalt  }
0x79: {  	_ =	shalt  }
0x7a: {  	_ =	shalt  }
0x7b: {  	_ =	shalt  }
0x7c: {  	_ =	shalt  }
0x7d: {  	_ =	shalt  }
0x7e: {  	_ =	shalt  }
0x7f: {  	_ =	shalt  }
0x80: {  	_ =	shalt  }
0x81: {  	_ =	shalt  }
0x82: {  	_ =	shalt  }
0x83: {  	_ =	shalt  }
0x84: {  	_ =	shalt  }
0x85: {  	_ =	shalt  }
0x86: {  	_ =	shalt  }
0x87: {  	_ =	shalt  }
.Lfunc_end0:
.L_simem_size_0:
called_computation_lowered:
.L_overlay_start_0:
0x88: {  	s2 =	sld [smem:$0x3FD9]  }
0x89: {  	s3 =	sld [smem:$0x3FFE];
	_ =	sdelay $0x1  }
0x8a: {  	s1 =	srdreg.scid  }
0x8b: {  	s0 =	sand.u32 $0x1, s1  }
0x8c: {  	s17 =	sshll.u32 s0, $0xA;
	s2 =	sadd.s32 s3, s2  }
0x8d: {  	s2 =	sadd.s32 s2, s17  }
0x8e: {  	[smem:$0x3FC2] =	sst s2  }
0x8f: {  	_ = 	snop  }
0x90: {  	s2 =	sld [smem:$0x3FD0];
	(tm) =	ssettm $0x1  }
0x91: {  	s18 =	sld [smem:$0x3FFB];
	_ =	sdelay $0x3  }
0x92: {  	_ =	strace s18  }
0x93: {  	s3 =	sld [smem:$0x3FFC];
	_ =	sdelay $0x3  }
0x94: {  	_ =	strace s3  }
0x95: {  	s3 =	sld [smem:$0x3FFD];
	_ =	sdelay $0x3  }
0x96: {  	_ =	strace s3  }
0x97: {  	_ =	strace $0x8FFFFFFF  }
0x98: {  	s19 =	sld [smem:$0x3FDB];
	_ =	sdelay $0x1  }
0x99: {  	s4 =	simm.s32 $_scs_section_size  }
0x9a: {  	s5 =	simm.s32 $_size__tile_overlayer_lowered;
	s6 =	simm.s32 $_tile_overlayer_lowered  }
0x9b: {  	s22 =	simm.s32 $0x1BFF;
	s21 =	sshll.u32 s6, $0x1;
	s3 =	sadd.s32 s4, s19  }
0x9c: {  	s7 =	simm.s32 $0x0;
	s20 =	sshll.u32 s5, $0x1;
	s5 =	sadd.s32 s21, s3  }
0x9d: {  	[timem:s7], [sflag:s22] =	dma.local [hbm:s5], s20  }
0x9e: {  	_ =	swait.ge [sflag:s22], s20  }
0x9f: {  	s4 =	ssub.s32 $0x0, s20;
	[sflag:s22] =	ssyncset.done $0x0  }
0xa0: {  	[sflag:s22] =	ssyncadd.s32 s4;
	_ =	sdelay $0x1  }
0xa1: {  	s23 =	simm.s32 $0x1B8B  }
0xa2: {  	_ =	swait.ge [sflag:s23], $0x1  }
0xa3: {  	[sflag:s23] =	ssyncset.done $0x0  }
0xa4: {  	s25 =	simm.s32 $0x1B8E;
	s24 =	sld [smem:$0x3FFE];
	[sflag:s23] =	ssyncadd.s32 $0xFFFFFFFF  }
0xa5: {  	s26 =	simm.s32 $execute0_lowered;
	[smem:$0x3FD2] =	sst s25  }
0xa6: {  	s5 =	sshll.u32 s26, $0x1;
	_ =	strace $0x80000046;
	[dreg:$0x1] =	wrdreg $0xFFFFFFFF  }
0xa7: {  	s28 =	simm.s32 $_size_execute0_lowered;
	s3 =	sadd.s32 s3, s5;
	[dreg:$0x0] =	wrdreg $0x0  }
0xa8: {  	s5 =	sshll.u32 s28, $0x1;
	[dreg:$0x2] =	wrdreg s3  }
0xa9: {  	[dreg:$0x3] =	wrdreg s5  }
0xaa: {  	[dreg:$0x4] =	wrdreg $0xC0  }
0xab: {  	_ =	task [dreg:s7], $0x5FFFF  }
0xac: {  	[dreg:$0x1] =	wrdreg $0xFFFFFFFF  }
0xad: {  	[dreg:$0x0] =	wrdreg $0x60  }
0xae: {  	[dreg:$0x2] =	wrdreg s24  }
0xaf: {  	[dreg:$0x3] =	wrdreg s2  }
0xb0: {  	[dreg:$0x4] =	wrdreg $0x9  }
0xb1: {  	_ =	task.clear_ibuf [dreg:s7], $0x5FFFF;
	_ =	strace $0x90000046  }
0xb2: {  	s29 =	simm.s32 $0x9;
	_ =	strace $0x80000048  }
0xb3: {  	_ =	swait.ge [sflag:s29], $0x1  }
0xb4: {  	[sflag:s29] =	ssyncadd.s32 $0xFFFFFFFF  }
0xb5: {  	_ =	strace $0x90000048  }
0xb6: {  	_ =	sfence  }
0xb7: {  	s30 =	sld [smem:$0x0];
	_ =	sdelay $0x2  }
0xb8: {  	s31 =	sshll.u32 s1, $0xD;
	s1 =	sshrl.u32 s1, $0x2  }
0xb9: {  	s3 =	sand.u32 $0x4000, s31;
	s1 =	sadd.s32 s1, s30  }
0xba: {  	s0 =	sor.u32 s3, s0;
	s1 =	sshll.u32 s1, $0x11  }
0xbb: {  	s0 =	sor.u32 s1, s0  }
0xbc: {  	s0 =	sadd.s32 $0x8F2B, s0  }
0xbd: {  	[sflag:s0] =	ssyncadd.remote.s32 $0x1  }
0xbe: {  	_ =	sfence.sel $0xFFFF  }
0xbf: {  	[dreg:$0x0] =	wrdreg $0xFFFFFFFF;
	(pc) =	sbr.abs _section_cstart, $3  }
0xc0: {  	[dreg:$0x1] =	wrdreg $0xFFFFFFFF  }
0xc1: {  	_ =	task.clear_ibuf [dreg:s7], $0x2FFFF;
	_ =	strace $0x9FFFFFFF  }
0xc2: {  	(tm) =	ssettm $0x7FFFFFFF  }
0xc3: {  	_ =	shalt  }
tec
execute0_lowered:
.L_overlay_start_1:
0x0: {  	(tag) =	ssettag $0x1  }
0x1: {  	s1 =	srdreg.scid;
	s0 =	stileid.u32  }
0x2: {  	s2 =	rddreg [dreg:$0x0];
	s6 =	sand.u32 $0x1, s1;
	s31 =	sshll.u32 s0, $0x1  }
0x3: {  	s4 =	rddreg [dreg:$0x1];
	s3 =	simm.s32 $0x0;
	s5 =	sor.u32 s6, s31  }
0x4: {  	[smem:$0x7FF] =	sst s3;
	s8 =	smul.u32 $0xC80, s5  }
0x5: {  	s1 =	rddreg [dreg:$0x2];
	_ =	strace $0x80000047  }
0x6: {  	s9 =	ssub.s32 $0x2, s6;
	s5 =	sadd.s32 s4, s8;
	s4 =	simm.s32 $0x2  }
0x7: {  	[tilespmem:s3], [sflag:$0x2] =	stream.linear.gather [hbm4b:s5+s3], $0x6400, $0x38;
	[tilespmem:$0xC800] =	vst v63  }
0x8: {  	s10 =	sshrl.u32 s9, $0x1;
	_ =	swait.ge [sflag:s4], $0x6400  }
0x9: {  	s7 =	simm.s32 $0x1;
	s9 =	ssub.s32 s9, s10;
	[sflag:s4] =	ssyncset.done $0x0  }
0xa: {  	s6 =	simm.s32 $0x6400;
	s9 =	smax.u32 s9, $0x1;
	[sflag:s4] =	ssyncadd.s32 $0xFFFF9C00  }
0xb: {  	[tilespmem:s6], [sflag:$0x1] =	stream.indirect.gather [hbm4b:s2+s6], $0x1, s3, s6, $0xb8;
	[tilespmem:$0xC800] =	vst v63  }
0xc: {  	p0 =	sne.s32 s9, $0x1;
	_ =	swait.ge [sflag:s7], $0x6400  }
.Ltmp0:
0xd: {  	s8 =	sadd.s32 s8, s2;
	[sflag:s7] =	ssyncset.done $0x0;
	(pc) =	sbr.rel @!p0 .LBB2_2-.Ltmp0, $4  }
0xe: {  	s8 =	sadd.s32 $0x1EA00, s8;
	[sflag:s7] =	ssyncadd.s32 $0xFFFF9C00  }
0xf: {  	[hbm4b:s8+s3] =	stream.linear.scatter [tilespmem:s6], [sflag:$0x2], $0x6400, $0x38;
	[tilespmem:$0xC800] =	vst v63  }
0x10: {  	_ =	swait.ge [sflag:s4], $0x6400  }
0x11: {  	s9 =	sadd.s32 $0xFFFFFFFF, s9;
	[sflag:s4] =	ssyncset.done $0x0  }
.LBB2_1:
0x12: {  	p0 =	sne.s32 s9, $0x1;
	s9 =	sadd.s32 $0xFFFFFFFF, s9;
	[sflag:s4] =	ssyncadd.s32 $0xFFFF9C00  }
0x13: {  	[tilespmem:s3], [sflag:$0x2] =	stream.linear.gather [hbm4b:s5+s3], $0x6400, $0x38;
	[tilespmem:$0xC800] =	vst v63  }
0x14: {  	_ =	swait.ge [sflag:s4], $0x6400  }
0x15: {  	[sflag:s4] =	ssyncset.done $0x0  }
0x16: {  	[sflag:s4] =	ssyncadd.s32 $0xFFFF9C00  }
0x17: {  	[tilespmem:s6], [sflag:$0x1] =	stream.indirect.gather [hbm4b:s2+s6], $0x1, s3, s6, $0xb8;
	[tilespmem:$0xC800] =	vst v63  }
0x18: {  	_ =	swait.ge [sflag:s7], $0x6400  }
.Ltmp1:
0x19: {  	[sflag:s7] =	ssyncset.done $0x0;
	(pc) =	sbr.rel @p0 .LBB2_1-.Ltmp1, $4  }
0x1a: {  	[sflag:s7] =	ssyncadd.s32 $0xFFFF9C00  }
0x1b: {  	[hbm4b:s8+s3] =	stream.linear.scatter [tilespmem:s6], [sflag:$0x2], $0x6400, $0x38;
	[tilespmem:$0xC800] =	vst v63  }
0x1c: {  	_ =	swait.ge [sflag:s4], $0x6400  }
0x1d: {  	[sflag:s4] =	ssyncset.done $0x0  }
.LBB2_2:
0x1e: {  	[sflag:s4] =	ssyncadd.s32 $0xFFFF9C00  }
0x1f: {  	_ =	sfence.sel $0x180000  }
0x20: {  	[bflag:$0x0] =	sbarrier.arrive $0xFFFF  }
0x21: {  	p0 =	sne.s32 s0, $0x0;
	_ =	strace $0x90000047  }
0x22: {  	s0 =	sadd.s32 @!p0 $0x100000, s1;
	[bflag:$0x2] =	sbarrier.arrive $0xFFFF  }
0x23: {  	[sflag:s0] =	ssyncadd.tile.s32 @!p0 $0x1;
	_ =	shalt  }
.Lfunc_end2:
_tile_overlayer_lowered:
.L_overlay_start_2:
0x24: {  	(tag) =	ssettag $0x2  }
0x25: {  	s0 =	rddreg [dreg:$0x0];
	s2 =	stileid.u32  }
0x26: {  	s1 =	rddreg [dreg:$0x1];
	p0 =	sne.s32 s2, $0x0  }
0x27: {  	s3 =	rddreg [dreg:$0x2];
	[bflag:$0x3] =	sbarrier.arrive $0xFFFF;
	s2 =	simm.s32 @!p0 $0x1C02  }
0x28: {  	[timem:s3], [sflag:s2] =	dma.local @!p0 [hbm:s0], s1  }
0x29: {  	s0 =	simm.s32 @!p0 $0x2  }
0x2a: {  	_ =	swait.ge @!p0 [sflag:s0], s1  }
0x2b: {  	s1 =	ssub.s32 @!p0 $0x0, s1;
	[sflag:s0] =	ssyncset.done @!p0 $0x0  }
0x2c: {  	[sflag:s0] =	ssyncadd.s32 @!p0 s1  }
0x2d: {  	[bflag:$0x3] =	sbarrier.arrive $0xFFFF  }
0x2e: {  	_ =	shalt  }

</sc_bundles>
